<compile_context>
chip_gen: v7x
topology: tpu7x:2x2x1
jax: 0.10.2.dev20260603
libtpu: 0.0.44.dev20260713+nightly
codegen_flags: <defaults>
</compile_context>

<pallas_src>
import functools

import jax
import jax.numpy as jnp
from jax import lax
from jax.experimental import pallas as pl
from jax.experimental.pallas import tpu as pltpu
from jax.experimental.pallas import tpu_sc as plsc

N = 10000
D = 128
E = 320000

NC = 2
NS = 16
NW = NC * NS
NPAD = 10240
CH = 64
NCHUNK = 162
EPW = CH * NCHUNK
EPAD = EPW * NW
ROWS_PER_TILE = NPAD // NS
NB = 3


def _stage1_body(x_ref, wg_ref, bg_ref, wy_ref, by_ref, g_ref, y_ref):
    xb = x_ref[...]
    g_ref[...] = jnp.dot(xb, wg_ref[...],
                         preferred_element_type=jnp.float32) + bg_ref[...]
    y_ref[...] = jnp.dot(xb, wy_ref[...],
                         preferred_element_type=jnp.float32) + by_ref[...] + xb


def _stage1(x, wg, bg, wy, by):
    br = 400
    grid = (N // br,)
    blk_x = pl.BlockSpec((br, D), lambda i: (i, 0))
    blk_w = pl.BlockSpec((D, D), lambda i: (0, 0))
    blk_b = pl.BlockSpec((1, D), lambda i: (0, 0))
    return pl.pallas_call(
        _stage1_body,
        grid=grid,
        in_specs=[blk_x, blk_w, blk_b, blk_w, blk_b],
        out_specs=[blk_x, blk_x],
        out_shape=[jax.ShapeDtypeStruct((N, D), jnp.float32),
                   jax.ShapeDtypeStruct((N, D), jnp.float32)],
    )(x, wg, bg, wy, by)


def _sc_body(x_hbm, s2_hbm, e2_hbm, a_hbm, b_hbm, z_hbm, out_hbm,
             a_v, b_v, sidx_v, eidx_v, rows_v, e_v, x_sh, sem_g, sem_s):
    cid = lax.axis_index("c")
    sid = lax.axis_index("s")
    wid = sid * NC + cid

    pltpu.sync_copy(a_hbm, a_v)
    pltpu.sync_copy(b_hbm, b_v)

    row0 = sid * ROWS_PER_TILE
    row0c = jnp.minimum(row0, N - ROWS_PER_TILE)
    pltpu.sync_copy(x_hbm.at[pl.ds(row0c, ROWS_PER_TILE)],
                    x_sh.at[pl.ds(row0, ROWS_PER_TILE)])
    plsc.subcore_barrier()

    crow0 = wid * NCHUNK

    def issue_gather(b, crow):
        pass

    issue_gather(0, crow0)
    issue_gather(1, crow0 + 1)

    def visit(b, ci):
        br = (b + 2) % NB



        def sgroup(g, c):
            k0 = 16 * g
            for l in range(16):
                kidx = jnp.full((16,), k0 + l, jnp.int32)
                es = plsc.load_gather(e_v, [kidx])
                for j in range(8):
                    sl = pl.ds(16 * j, 16)
                    rows_v[b, k0 + l, sl] = rows_v[b, k0 + l, sl] * es
            return c




        @pl.when(ci + 2 < NCHUNK)
        def _():
            issue_gather(br, crow0 + ci + 2)

    def triple_body(i3, carry):
        c0 = 3 * i3
        visit(0, c0)
        visit(1, c0 + 1)
        visit(2, c0 + 2)
        return carry

    lax.fori_loop(0, NCHUNK // NB, triple_body, 0)

    bl = (NCHUNK - 1) % NB
    plsc.subcore_barrier()

    pltpu.sync_copy(rows_v.at[0],
                    out_hbm.at[cid].at[pl.ds(row0, CH)])


_sc_kernel = pl.kernel(
    _sc_body,
    out_type=jax.ShapeDtypeStruct((NC, NPAD, D), jnp.float32),
    mesh=plsc.VectorSubcoreMesh(core_axis_name="c", subcore_axis_name="s"),
    compiler_params=pltpu.CompilerParams(needs_layout_passes=False),
    scratch_types=[
        pltpu.VMEM((NPAD,), jnp.float32),
        pltpu.VMEM((NPAD,), jnp.float32),
        pltpu.VMEM((NB, 1, CH), jnp.int32),
        pltpu.VMEM((NB, 1, CH), jnp.int32),
        pltpu.VMEM((NB, CH, D), jnp.float32),
        pltpu.VMEM((CH,), jnp.float32),
        pltpu.VMEM_SHARED((NPAD, D), jnp.float32),
        pltpu.SemaphoreType.DMA((NB,)),
        pltpu.SemaphoreType.DMA((NB,)),
    ],
)


def _stage3_body(m0_ref, m1_ref, wm_ref, y_ref, o_ref):
    mb = m0_ref[...] + m1_ref[...]
    o_ref[...] = jnp.dot(mb, wm_ref[...],
                         preferred_element_type=jnp.float32) + y_ref[...]


def _stage3(m0, m1, wm, y):
    br = 400
    grid = (N // br,)
    blk = pl.BlockSpec((br, D), lambda i: (i, 0))
    blk_w = pl.BlockSpec((D, D), lambda i: (0, 0))
    return pl.pallas_call(
        _stage3_body,
        grid=grid,
        in_specs=[blk, blk, blk_w, blk],
        out_specs=blk,
        out_shape=jax.ShapeDtypeStruct((N, D), jnp.float32),
    )(m0, m1, wm, y)


@jax.jit
def kernel(x, start, end, We, be, Wn, bn):
    x = x.astype(jnp.float32)
    s32 = start.astype(jnp.int32)
    e32 = end.astype(jnp.int32)

    wg = jnp.concatenate(
        [We[:D], We[D:], jnp.zeros((D, D - 2), jnp.float32)], axis=1)
    bg = jnp.concatenate([be, jnp.zeros((D - 1,), jnp.float32)])[None, :]
    wy = Wn[D:]
    by = bn[None, :]
    wm = Wn[:D]

    g_out, y = _stage1(x, wg, bg, wy, by)
    a = g_out[:, 0]
    b = g_out[:, 1]
    a_pad = jnp.concatenate([a, jnp.zeros((NPAD - N,), jnp.float32)])
    b_pad = jnp.concatenate([b, jnp.zeros((NPAD - N,), jnp.float32)])

    s_pad = jnp.concatenate(
        [s32, jnp.zeros((EPAD - E,), jnp.int32)]).reshape(EPAD // CH, CH)
    e_pad = jnp.concatenate(
        [e32, jnp.full((EPAD - E,), N, jnp.int32)]).reshape(EPAD // CH, CH)

    zeros_nodes = jnp.zeros((NPAD, D), jnp.float32)
    partials = _sc_kernel(x, s_pad, e_pad, a_pad, b_pad, zeros_nodes)

    return _stage3(partials[0, :N], partials[1, :N], wm, y)

# --- scband reference (transcript-rebuilt; emitter-appended) ---
"""Pipeline reference for scband-message-net-5781025980521 (READ-ONLY COPY).

The authoritative reference and input builder live on the scoring server;
editing this copy changes nothing except your own understanding.
"""

import jax, jax.numpy as jnp
import numpy as np


def setup_inputs(seed: int = 0) -> dict:
    key = jax.random.key(seed)
    ks = jax.random.split(key, 7)
    N, E, D = 10000, 320000, 128
    x = jax.random.normal(ks[0], (N, D), dtype=jnp.float32)
    start = jax.random.randint(ks[1], (E,), 0, N, dtype=jnp.int64)
    end = jax.random.randint(ks[2], (E,), 0, N, dtype=jnp.int64)
    # edge_network: Linear(2D -> 1); node_network: Linear(2D -> D)
    We = jax.random.normal(ks[3], (2 * D, 1), dtype=jnp.float32) * 0.05
    be = jnp.zeros((1,), dtype=jnp.float32)
    Wn = jax.random.normal(ks[4], (2 * D, D), dtype=jnp.float32) * 0.05
    bn = jnp.zeros((D,), dtype=jnp.float32)
    return {"x": x, "start": start, "end": end, "We": We, "be": be, "Wn": Wn, "bn": bn}


def reference(x, start, end, We, be, Wn, bn):
    # edge_inputs = cat([x[start], x[end]], dim=1)  (gather)
    edge_inputs = jnp.concatenate([jnp.take(x, start, axis=0), jnp.take(x, end, axis=0)], axis=1)
    # e = sigmoid(edge_network(edge_inputs))  -> [E, 1] gate
    e = jax.nn.sigmoid(edge_inputs @ We + be)
    # aggregation == 'sum': scatter_add(e * x[start], end, dim=0, dim_size=N)
    msg_src = e * jnp.take(x, start, axis=0)
    messages = jnp.zeros_like(x).at[end].add(msg_src)
    # node update with residual
    node_inputs = jnp.concatenate([messages, x], axis=1)
    x_out = node_inputs @ Wn + bn
    x_out = x_out + x
    return x_out

if __name__ == "__main__":
    import jax
    _d = setup_inputs()
    print(jax.jit(kernel)(*tuple(_d.values())))

</pallas_src>

<mosaic_0001>
#map = affine_map<(d0, d1) -> (0, 0)>
#map1 = affine_map<(d0, d1) -> (0)>
#map2 = affine_map<(d0, d1) -> (0, 0, 0)>
module attributes {stable_mosaic.version = 14 : i64} {
  func.func @_sc_body(%arg0: i32, %arg1: i32, %arg2: memref<10000x128xf32, #tpu.memory_space<hbm>>, %arg3: memref<5184x64xi32, #tpu.memory_space<hbm>>, %arg4: memref<5184x64xi32, #tpu.memory_space<hbm>>, %arg5: memref<10240xf32, #tpu.memory_space<hbm>>, %arg6: memref<10240xf32, #tpu.memory_space<hbm>>, %arg7: memref<10240x128xf32, #tpu.memory_space<hbm>>, %arg8: memref<2x10240x128xf32, #tpu.memory_space<hbm>>, %arg9: memref<10240xf32, #tpu.memory_space<vmem>>, %arg10: memref<10240xf32, #tpu.memory_space<vmem>>, %arg11: memref<3x1x64xi32, #tpu.memory_space<vmem>>, %arg12: memref<3x1x64xi32, #tpu.memory_space<vmem>>, %arg13: memref<3x64x128xf32, #tpu.memory_space<vmem>>, %arg14: memref<64xf32, #tpu.memory_space<vmem>>, %arg15: memref<10240x128xf32, #tpu.memory_space<vmem_shared>>, %arg16: memref<3x!tpu.dma_semaphore, #tpu.memory_space<semaphore_mem>>, %arg17: memref<3x!tpu.dma_semaphore, #tpu.memory_space<semaphore_mem>>) attributes {dimension_semantics = [#tpu.dimension_semantics<core_parallel>, #tpu.dimension_semantics<subcore_parallel>], iteration_bounds = array<i64: 2, 16>, scalar_prefetch = 0 : i64, scratch_operands = 9 : i64, tpu.core_type = #tpu.core_type<sc_vector_subcore>, window_params = [{transform_indices = #map}, {transform_indices = #map}, {transform_indices = #map}, {transform_indices = #map1}, {transform_indices = #map1}, {transform_indices = #map}, {transform_indices = #map2}]} {
    %mul3A = arith.constant 2 : i32
    %mul3A_0 = arith.muli %arg1, %mul3A : i32
    %add3A = arith.addi %mul3A_0, %arg0 : i32
    "tpu.region"() ({
      %run_scoped3A_14 = tpu.sem_alloc : memref<!tpu.dma_semaphore, #tpu.memory_space<semaphore_mem>>
      tpu.enqueue_dma source(%arg5 : memref<10240xf32, #tpu.memory_space<hbm>>) target(%arg9 : memref<10240xf32, #tpu.memory_space<vmem>>) target_semaphore(%run_scoped3A_14 : memref<!tpu.dma_semaphore, #tpu.memory_space<semaphore_mem>>)
      tpu.wait_dma2 semaphore(%run_scoped3A_14 : memref<!tpu.dma_semaphore, #tpu.memory_space<semaphore_mem>>) src(%arg5 : memref<10240xf32, #tpu.memory_space<hbm>>) dst(%arg9 : memref<10240xf32, #tpu.memory_space<vmem>>)
      tpu.yield
    }) : () -> ()
    "tpu.region"() ({
      %run_scoped3A_14 = tpu.sem_alloc : memref<!tpu.dma_semaphore, #tpu.memory_space<semaphore_mem>>
      tpu.enqueue_dma source(%arg6 : memref<10240xf32, #tpu.memory_space<hbm>>) target(%arg10 : memref<10240xf32, #tpu.memory_space<vmem>>) target_semaphore(%run_scoped3A_14 : memref<!tpu.dma_semaphore, #tpu.memory_space<semaphore_mem>>)
      tpu.wait_dma2 semaphore(%run_scoped3A_14 : memref<!tpu.dma_semaphore, #tpu.memory_space<semaphore_mem>>) src(%arg6 : memref<10240xf32, #tpu.memory_space<hbm>>) dst(%arg10 : memref<10240xf32, #tpu.memory_space<vmem>>)
      tpu.yield
    }) : () -> ()
    %mul3A_1 = arith.constant 640 : i32
    %mul3A_2 = arith.muli %arg1, %mul3A_1 : i32
    %min3A = arith.constant 9360 : i32
    %min3A_3 = arith.minsi %mul3A_2, %min3A : i32
    "tpu.region"() ({
      %run_scoped3A_14 = tpu.sem_alloc : memref<!tpu.dma_semaphore, #tpu.memory_space<semaphore_mem>>
      %dma_start3A = arith.constant 0 : i32
      %dma_start3A_15 = tpu.memref_slice %arg15[%mul3A_2, %dma_start3A] : memref<10240x128xf32, #tpu.memory_space<vmem_shared>> -> memref<640x128xf32, #tpu.memory_space<vmem_shared>>
      %dma_start3A_16 = arith.constant 0 : i32
      %dma_start3A_17 = tpu.memref_slice %arg2[%min3A_3, %dma_start3A_16] : memref<10000x128xf32, #tpu.memory_space<hbm>> -> memref<640x128xf32, #tpu.memory_space<hbm>>
      tpu.enqueue_dma source(%dma_start3A_17 : memref<640x128xf32, #tpu.memory_space<hbm>>) target(%dma_start3A_15 : memref<640x128xf32, #tpu.memory_space<vmem_shared>>) target_semaphore(%run_scoped3A_14 : memref<!tpu.dma_semaphore, #tpu.memory_space<semaphore_mem>>)
      %dma_wait3A = arith.constant 0 : i32
      %dma_wait3A_18 = tpu.memref_slice %arg15[%mul3A_2, %dma_wait3A] : memref<10240x128xf32, #tpu.memory_space<vmem_shared>> -> memref<640x128xf32, #tpu.memory_space<vmem_shared>>
      %dma_wait3A_19 = arith.constant 0 : i32
      %dma_wait3A_20 = tpu.memref_slice %arg2[%min3A_3, %dma_wait3A_19] : memref<10000x128xf32, #tpu.memory_space<hbm>> -> memref<640x128xf32, #tpu.memory_space<hbm>>
      tpu.wait_dma2 semaphore(%run_scoped3A_14 : memref<!tpu.dma_semaphore, #tpu.memory_space<semaphore_mem>>) src(%dma_wait3A_20 : memref<640x128xf32, #tpu.memory_space<hbm>>) dst(%dma_wait3A_18 : memref<640x128xf32, #tpu.memory_space<vmem_shared>>)
      tpu.yield
    }) : () -> ()
    %barrier3A = arith.constant 0 : index
    tpu.barrier barrier_id(%barrier3A)
    %mul3A_4 = arith.constant 162 : i32
    %mul3A_5 = arith.muli %add3A, %mul3A_4 : i32
    %add3A_6 = arith.constant 1 : i32
    %add3A_7 = arith.addi %mul3A_5, %add3A_6 : i32
    %scan3A = arith.constant 0 : i32
    %scan3A_8 = arith.constant 0 : i32
    %scan3A_9 = arith.constant 54 : i32
    %scan3A_10 = arith.addi %scan3A_8, %scan3A_9 : i32
    %scan3A_11 = arith.constant 1 : i32
    scf.for %scan3A_14 = %scan3A_8 to %scan3A_10 step %scan3A_11  : i32 {
      %mul3A_15 = arith.constant 3 : i32
      %mul3A_16 = arith.muli %mul3A_15, %scan3A_14 : i32
      %add3A_17 = arith.constant 2 : i32
      %add3A_18 = arith.addi %mul3A_16, %add3A_17 : i32
      %lt3A = arith.constant 162 : i32
      %lt3A_19 = arith.cmpi slt, %add3A_18, %lt3A : i32
      %convert_element_type3A = arith.extui %lt3A_19 : i1 to i32
      %cond3A = arith.constant 0 : i32
      %cond3A_20 = arith.cmpi ne, %convert_element_type3A, %cond3A : i32
      scf.if %cond3A_20 {
        %add3A_39 = arith.addi %mul3A_5, %mul3A_16 : i32
        %add3A_40 = arith.constant 2 : i32
        %add3A_41 = arith.addi %add3A_39, %add3A_40 : i32
      } else {
      }
      %add3A_21 = arith.constant 1 : i32
      %add3A_22 = arith.addi %mul3A_16, %add3A_21 : i32
      %add3A_23 = arith.constant 2 : i32
      %add3A_24 = arith.addi %add3A_22, %add3A_23 : i32
      %lt3A_25 = arith.constant 162 : i32
      %lt3A_26 = arith.cmpi slt, %add3A_24, %lt3A_25 : i32
      %convert_element_type3A_27 = arith.extui %lt3A_26 : i1 to i32
      %cond3A_28 = arith.constant 0 : i32
      %cond3A_29 = arith.cmpi ne, %convert_element_type3A_27, %cond3A_28 : i32
      scf.if %cond3A_29 {
        %add3A_39 = arith.addi %mul3A_5, %add3A_22 : i32
        %add3A_40 = arith.constant 2 : i32
        %add3A_41 = arith.addi %add3A_39, %add3A_40 : i32
      } else {
      }
      %add3A_30 = arith.constant 2 : i32
      %add3A_31 = arith.addi %mul3A_16, %add3A_30 : i32
      %add3A_32 = arith.constant 2 : i32
      %add3A_33 = arith.addi %add3A_31, %add3A_32 : i32
      %lt3A_34 = arith.constant 162 : i32
      %lt3A_35 = arith.cmpi slt, %add3A_33, %lt3A_34 : i32
      %convert_element_type3A_36 = arith.extui %lt3A_35 : i1 to i32
      %cond3A_37 = arith.constant 0 : i32
      %cond3A_38 = arith.cmpi ne, %convert_element_type3A_36, %cond3A_37 : i32
      scf.if %cond3A_38 {
        %add3A_39 = arith.addi %mul3A_5, %add3A_31 : i32
        %add3A_40 = arith.constant 2 : i32
        %add3A_41 = arith.addi %add3A_39, %add3A_40 : i32
      } else {
      }
    }
    %scan3A_12 = arith.constant 54 : i32
    %barrier3A_13 = arith.constant 0 : index
    tpu.barrier barrier_id(%barrier3A_13)
    %run_scoped3A = arith.constant 0 : i32
    "tpu.region"() ({
      %run_scoped3A_14 = tpu.sem_alloc : memref<!tpu.dma_semaphore, #tpu.memory_space<semaphore_mem>>
      %dma_start3A = arith.constant 0 : i32
      %dma_start3A_15 = arith.constant 0 : i32
      %dma_start3A_16 = tpu.memref_slice %arg13[%run_scoped3A, %dma_start3A, %dma_start3A_15] : memref<3x64x128xf32, #tpu.memory_space<vmem>> -> memref<1x64x128xf32, #tpu.memory_space<vmem>>
      %dma_start3A_17 = tpu.memref_squeeze %dma_start3A_16 : memref<1x64x128xf32, #tpu.memory_space<vmem>> -> memref<64x128xf32, #tpu.memory_space<vmem>>
      %dma_start3A_18 = arith.constant 0 : i32
      %dma_start3A_19 = arith.constant 0 : i32
      %dma_start3A_20 = tpu.memref_slice %arg8[%arg0, %dma_start3A_18, %dma_start3A_19] : memref<2x10240x128xf32, #tpu.memory_space<hbm>> -> memref<1x10240x128xf32, #tpu.memory_space<hbm>>
      %dma_start3A_21 = tpu.memref_squeeze %dma_start3A_20 : memref<1x10240x128xf32, #tpu.memory_space<hbm>> -> memref<10240x128xf32, #tpu.memory_space<hbm>>
      %dma_start3A_22 = arith.constant 0 : i32
      %dma_start3A_23 = tpu.memref_slice %dma_start3A_21[%mul3A_2, %dma_start3A_22] : memref<10240x128xf32, #tpu.memory_space<hbm>> -> memref<64x128xf32, #tpu.memory_space<hbm>>
      %dma_start3A_24 = arith.constant 0 : i32
      %dma_start3A_25 = arith.constant 0 : i32
      %dma_start3A_26 = tpu.memref_slice %arg8[%arg0, %dma_start3A_24, %dma_start3A_25] : memref<2x10240x128xf32, #tpu.memory_space<hbm>> -> memref<1x10240x128xf32, #tpu.memory_space<hbm>>
      %dma_start3A_27 = tpu.memref_squeeze %dma_start3A_26 : memref<1x10240x128xf32, #tpu.memory_space<hbm>> -> memref<10240x128xf32, #tpu.memory_space<hbm>>
      %dma_start3A_28 = arith.constant 0 : i32
      %dma_start3A_29 = tpu.memref_slice %dma_start3A_27[%mul3A_2, %dma_start3A_28] : memref<10240x128xf32, #tpu.memory_space<hbm>> -> memref<64x128xf32, #tpu.memory_space<hbm>>
      %dma_start3A_30 = arith.constant 0 : i32
      %dma_start3A_31 = arith.constant 0 : i32
      %dma_start3A_32 = tpu.memref_slice %arg13[%run_scoped3A, %dma_start3A_30, %dma_start3A_31] : memref<3x64x128xf32, #tpu.memory_space<vmem>> -> memref<1x64x128xf32, #tpu.memory_space<vmem>>
      %dma_start3A_33 = tpu.memref_squeeze %dma_start3A_32 : memref<1x64x128xf32, #tpu.memory_space<vmem>> -> memref<64x128xf32, #tpu.memory_space<vmem>>
      tpu.enqueue_dma source(%dma_start3A_33 : memref<64x128xf32, #tpu.memory_space<vmem>>) target(%dma_start3A_29 : memref<64x128xf32, #tpu.memory_space<hbm>>) target_semaphore(%run_scoped3A_14 : memref<!tpu.dma_semaphore, #tpu.memory_space<semaphore_mem>>)
      %dma_wait3A = arith.constant 0 : i32
      %dma_wait3A_34 = arith.constant 0 : i32
      %dma_wait3A_35 = tpu.memref_slice %arg13[%run_scoped3A, %dma_wait3A, %dma_wait3A_34] : memref<3x64x128xf32, #tpu.memory_space<vmem>> -> memref<1x64x128xf32, #tpu.memory_space<vmem>>
      %dma_wait3A_36 = tpu.memref_squeeze %dma_wait3A_35 : memref<1x64x128xf32, #tpu.memory_space<vmem>> -> memref<64x128xf32, #tpu.memory_space<vmem>>
      %dma_wait3A_37 = arith.constant 0 : i32
      %dma_wait3A_38 = arith.constant 0 : i32
      %dma_wait3A_39 = tpu.memref_slice %arg8[%arg0, %dma_wait3A_37, %dma_wait3A_38] : memref<2x10240x128xf32, #tpu.memory_space<hbm>> -> memref<1x10240x128xf32, #tpu.memory_space<hbm>>
      %dma_wait3A_40 = tpu.memref_squeeze %dma_wait3A_39 : memref<1x10240x128xf32, #tpu.memory_space<hbm>> -> memref<10240x128xf32, #tpu.memory_space<hbm>>
      %dma_wait3A_41 = arith.constant 0 : i32
      %dma_wait3A_42 = tpu.memref_slice %dma_wait3A_40[%mul3A_2, %dma_wait3A_41] : memref<10240x128xf32, #tpu.memory_space<hbm>> -> memref<64x128xf32, #tpu.memory_space<hbm>>
      %dma_wait3A_43 = arith.constant 0 : i32
      %dma_wait3A_44 = arith.constant 0 : i32
      %dma_wait3A_45 = tpu.memref_slice %arg8[%arg0, %dma_wait3A_43, %dma_wait3A_44] : memref<2x10240x128xf32, #tpu.memory_space<hbm>> -> memref<1x10240x128xf32, #tpu.memory_space<hbm>>
      %dma_wait3A_46 = tpu.memref_squeeze %dma_wait3A_45 : memref<1x10240x128xf32, #tpu.memory_space<hbm>> -> memref<10240x128xf32, #tpu.memory_space<hbm>>
      %dma_wait3A_47 = arith.constant 0 : i32
      %dma_wait3A_48 = tpu.memref_slice %dma_wait3A_46[%mul3A_2, %dma_wait3A_47] : memref<10240x128xf32, #tpu.memory_space<hbm>> -> memref<64x128xf32, #tpu.memory_space<hbm>>
      %dma_wait3A_49 = arith.constant 0 : i32
      %dma_wait3A_50 = arith.constant 0 : i32
      %dma_wait3A_51 = tpu.memref_slice %arg13[%run_scoped3A, %dma_wait3A_49, %dma_wait3A_50] : memref<3x64x128xf32, #tpu.memory_space<vmem>> -> memref<1x64x128xf32, #tpu.memory_space<vmem>>
      %dma_wait3A_52 = tpu.memref_squeeze %dma_wait3A_51 : memref<1x64x128xf32, #tpu.memory_space<vmem>> -> memref<64x128xf32, #tpu.memory_space<vmem>>
      tpu.wait_dma2 semaphore(%run_scoped3A_14 : memref<!tpu.dma_semaphore, #tpu.memory_space<semaphore_mem>>) src(%dma_wait3A_52 : memref<64x128xf32, #tpu.memory_space<vmem>>) dst(%dma_wait3A_48 : memref<64x128xf32, #tpu.memory_space<hbm>>)
      tpu.yield
    }) : () -> ()
    return
  }
}

module attributes {stable_mosaic.version = 14 : i64} {
  func.func @_stage1_body(%arg0: i32, %arg1: memref<400x128xf32, #tpu.memory_space<vmem>>, %arg2: memref<128x128xf32, #tpu.memory_space<vmem>>, %arg3: memref<1x128xf32, #tpu.memory_space<vmem>>, %arg4: memref<128x128xf32, #tpu.memory_space<vmem>>, %arg5: memref<1x128xf32, #tpu.memory_space<vmem>>, %arg6: memref<400x128xf32, #tpu.memory_space<vmem>>, %arg7: memref<400x128xf32, #tpu.memory_space<vmem>>) attributes {dimension_semantics = [#tpu.dimension_semantics<arbitrary>], iteration_bounds = array<i64: 25>, scalar_prefetch = 0 : i64, scratch_operands = 0 : i64, tpu.core_type = #tpu.core_type<tc>, window_params = [{transform_indices = @transform_0, window_bounds = array<i64: 400, 128>}, {pipeline_mode = #tpu.pipeline_mode<synchronous>, transform_indices = @transform_1, window_bounds = array<i64: 128, 128>}, {pipeline_mode = #tpu.pipeline_mode<synchronous>, transform_indices = @transform_2, window_bounds = array<i64: 1, 128>}, {pipeline_mode = #tpu.pipeline_mode<synchronous>, transform_indices = @transform_3, window_bounds = array<i64: 128, 128>}, {pipeline_mode = #tpu.pipeline_mode<synchronous>, transform_indices = @transform_4, window_bounds = array<i64: 1, 128>}, {transform_indices = @transform_5, window_bounds = array<i64: 400, 128>}, {transform_indices = @transform_6, window_bounds = array<i64: 400, 128>}]} {
    %get3A = arith.constant 0 : index
    %get3A_0 = arith.constant 0 : index
    %get3A_1 = vector.load %arg1[%get3A, %get3A_0] : memref<400x128xf32, #tpu.memory_space<vmem>>, vector<400x128xf32>
    %get3A_2 = arith.constant 0 : index
    %get3A_3 = arith.constant 0 : index
    %get3A_4 = vector.load %arg2[%get3A_2, %get3A_3] : memref<128x128xf32, #tpu.memory_space<vmem>>, vector<128x128xf32>
    %dot_general3A = arith.constant dense<0.000000e+00> : vector<400x128xf32>
    %dot_general3A_5 = tpu.matmul %get3A_1, %get3A_4, %dot_general3A {dimension_numbers = #tpu.dot_dimension_numbers<[1], [0], [0], [1], [0, 0, 1, 1], [], []>, transpose_lhs_hint = false} : vector<400x128xf32>, vector<128x128xf32>, vector<400x128xf32> -> vector<400x128xf32>
    %get3A_6 = arith.constant 0 : index
    %get3A_7 = arith.constant 0 : index
    %get3A_8 = vector.load %arg3[%get3A_6, %get3A_7] : memref<1x128xf32, #tpu.memory_space<vmem>>, vector<1x128xf32>
    %add3A = vector.broadcast %get3A_8 : vector<1x128xf32> to vector<400x128xf32>
    %add3A_9 = arith.addf %dot_general3A_5, %add3A : vector<400x128xf32>
    %swap3A = arith.constant 0 : index
    %swap3A_10 = arith.constant 0 : index
    %swap3A_11 = vector.load %arg6[%swap3A, %swap3A_10] : memref<400x128xf32, #tpu.memory_space<vmem>>, vector<400x128xf32>
    tpu.vector_store %arg6[%swap3A, %swap3A_10], %add3A_9 {strides = array<i32>} : memref<400x128xf32, #tpu.memory_space<vmem>>, vector<400x128xf32>,
    %get3A_12 = arith.constant 0 : index
    %get3A_13 = arith.constant 0 : index
    %get3A_14 = vector.load %arg4[%get3A_12, %get3A_13] : memref<128x128xf32, #tpu.memory_space<vmem>>, vector<128x128xf32>
    %dot_general3A_15 = arith.constant dense<0.000000e+00> : vector<400x128xf32>
    %dot_general3A_16 = tpu.matmul %get3A_1, %get3A_14, %dot_general3A_15 {dimension_numbers = #tpu.dot_dimension_numbers<[1], [0], [0], [1], [0, 0, 1, 1], [], []>, transpose_lhs_hint = false} : vector<400x128xf32>, vector<128x128xf32>, vector<400x128xf32> -> vector<400x128xf32>
    %get3A_17 = arith.constant 0 : index
    %get3A_18 = arith.constant 0 : index
    %get3A_19 = vector.load %arg5[%get3A_17, %get3A_18] : memref<1x128xf32, #tpu.memory_space<vmem>>, vector<1x128xf32>
    %add3A_20 = vector.broadcast %get3A_19 : vector<1x128xf32> to vector<400x128xf32>
    %add3A_21 = arith.addf %dot_general3A_16, %add3A_20 : vector<400x128xf32>
    %add3A_22 = arith.addf %add3A_21, %get3A_1 : vector<400x128xf32>
    %swap3A_23 = arith.constant 0 : index
    %swap3A_24 = arith.constant 0 : index
    %swap3A_25 = vector.load %arg7[%swap3A_23, %swap3A_24] : memref<400x128xf32, #tpu.memory_space<vmem>>, vector<400x128xf32>
    tpu.vector_store %arg7[%swap3A_23, %swap3A_24], %add3A_22 {strides = array<i32>} : memref<400x128xf32, #tpu.memory_space<vmem>>, vector<400x128xf32>,
    return
  }
  func.func @transform_0(%arg0: i32) -> (i32, i32) {
    %c0_i32 = arith.constant 0 : i32
    %c0_i32_0 = arith.constant 0 : i32
    return %arg0, %c0_i32 : i32, i32
  }
  func.func @transform_1(%arg0: i32) -> (i32, i32) {
    %c0_i32 = arith.constant 0 : i32
    %c0_i32_0 = arith.constant 0 : i32
    %c0_i32_1 = arith.constant 0 : i32
    return %c0_i32, %c0_i32_0 : i32, i32
  }
  func.func @transform_2(%arg0: i32) -> (i32, i32) {
    %c0_i32 = arith.constant 0 : i32
    %c0_i32_0 = arith.constant 0 : i32
    %c0_i32_1 = arith.constant 0 : i32
    return %c0_i32, %c0_i32_0 : i32, i32
  }
  func.func @transform_3(%arg0: i32) -> (i32, i32) {
    %c0_i32 = arith.constant 0 : i32
    %c0_i32_0 = arith.constant 0 : i32
    %c0_i32_1 = arith.constant 0 : i32
    return %c0_i32, %c0_i32_0 : i32, i32
  }
  func.func @transform_4(%arg0: i32) -> (i32, i32) {
    %c0_i32 = arith.constant 0 : i32
    %c0_i32_0 = arith.constant 0 : i32
    %c0_i32_1 = arith.constant 0 : i32
    return %c0_i32, %c0_i32_0 : i32, i32
  }
  func.func @transform_5(%arg0: i32) -> (i32, i32) {
    %c0_i32 = arith.constant 0 : i32
    %c0_i32_0 = arith.constant 0 : i32
    return %arg0, %c0_i32 : i32, i32
  }
  func.func @transform_6(%arg0: i32) -> (i32, i32) {
    %c0_i32 = arith.constant 0 : i32
    %c0_i32_0 = arith.constant 0 : i32
    return %arg0, %c0_i32 : i32, i32
  }
}

module attributes {stable_mosaic.version = 14 : i64} {
  func.func @_stage3_body(%arg0: i32, %arg1: memref<400x128xf32, #tpu.memory_space<vmem>>, %arg2: memref<400x128xf32, #tpu.memory_space<vmem>>, %arg3: memref<128x128xf32, #tpu.memory_space<vmem>>, %arg4: memref<400x128xf32, #tpu.memory_space<vmem>>, %arg5: memref<400x128xf32, #tpu.memory_space<vmem>>) attributes {dimension_semantics = [#tpu.dimension_semantics<arbitrary>], iteration_bounds = array<i64: 25>, scalar_prefetch = 0 : i64, scratch_operands = 0 : i64, tpu.core_type = #tpu.core_type<tc>, window_params = [{transform_indices = @transform_0, window_bounds = array<i64: 400, 128>}, {transform_indices = @transform_1, window_bounds = array<i64: 400, 128>}, {pipeline_mode = #tpu.pipeline_mode<synchronous>, transform_indices = @transform_2, window_bounds = array<i64: 128, 128>}, {transform_indices = @transform_3, window_bounds = array<i64: 400, 128>}, {transform_indices = @transform_4, window_bounds = array<i64: 400, 128>}]} {
    %get3A = arith.constant 0 : index
    %get3A_0 = arith.constant 0 : index
    %get3A_1 = vector.load %arg1[%get3A, %get3A_0] : memref<400x128xf32, #tpu.memory_space<vmem>>, vector<400x128xf32>
    %get3A_2 = arith.constant 0 : index
    %get3A_3 = arith.constant 0 : index
    %get3A_4 = vector.load %arg2[%get3A_2, %get3A_3] : memref<400x128xf32, #tpu.memory_space<vmem>>, vector<400x128xf32>
    %add3A = arith.addf %get3A_1, %get3A_4 : vector<400x128xf32>
    %get3A_5 = arith.constant 0 : index
    %get3A_6 = arith.constant 0 : index
    %get3A_7 = vector.load %arg3[%get3A_5, %get3A_6] : memref<128x128xf32, #tpu.memory_space<vmem>>, vector<128x128xf32>
    %dot_general3A = arith.constant dense<0.000000e+00> : vector<400x128xf32>
    %dot_general3A_8 = tpu.matmul %add3A, %get3A_7, %dot_general3A {dimension_numbers = #tpu.dot_dimension_numbers<[1], [0], [0], [1], [0, 0, 1, 1], [], []>, transpose_lhs_hint = false} : vector<400x128xf32>, vector<128x128xf32>, vector<400x128xf32> -> vector<400x128xf32>
    %get3A_9 = arith.constant 0 : index
    %get3A_10 = arith.constant 0 : index
    %get3A_11 = vector.load %arg4[%get3A_9, %get3A_10] : memref<400x128xf32, #tpu.memory_space<vmem>>, vector<400x128xf32>
    %add3A_12 = arith.addf %dot_general3A_8, %get3A_11 : vector<400x128xf32>
    %swap3A = arith.constant 0 : index
    %swap3A_13 = arith.constant 0 : index
    %swap3A_14 = vector.load %arg5[%swap3A, %swap3A_13] : memref<400x128xf32, #tpu.memory_space<vmem>>, vector<400x128xf32>
    tpu.vector_store %arg5[%swap3A, %swap3A_13], %add3A_12 {strides = array<i32>} : memref<400x128xf32, #tpu.memory_space<vmem>>, vector<400x128xf32>,
    return
  }
  func.func @transform_0(%arg0: i32) -> (i32, i32) {
    %c0_i32 = arith.constant 0 : i32
    %c0_i32_0 = arith.constant 0 : i32
    return %arg0, %c0_i32 : i32, i32
  }
  func.func @transform_1(%arg0: i32) -> (i32, i32) {
    %c0_i32 = arith.constant 0 : i32
    %c0_i32_0 = arith.constant 0 : i32
    return %arg0, %c0_i32 : i32, i32
  }
  func.func @transform_2(%arg0: i32) -> (i32, i32) {
    %c0_i32 = arith.constant 0 : i32
    %c0_i32_0 = arith.constant 0 : i32
    %c0_i32_1 = arith.constant 0 : i32
    return %c0_i32, %c0_i32_0 : i32, i32
  }
  func.func @transform_3(%arg0: i32) -> (i32, i32) {
    %c0_i32 = arith.constant 0 : i32
    %c0_i32_0 = arith.constant 0 : i32
    return %arg0, %c0_i32 : i32, i32
  }
  func.func @transform_4(%arg0: i32) -> (i32, i32) {
    %c0_i32 = arith.constant 0 : i32
    %c0_i32_0 = arith.constant 0 : i32
    return %arg0, %c0_i32 : i32, i32
  }
}

</mosaic_0001>

<sc_bundles>
// kernel: kernel.5.cloned.1.call-start
scs
__scs_entry_jumppad:
0x0: {  	(pc) =	sbr.rel $0x88, $3  }
0x1: {  	(tag) =	ssettag $0x0;
	lr =	simm.s32 $0x1  }
0x2: {  	[smem:$0x3F9A] =	sst lr;
	_ =	strace $0xD0000000  }
0x3: {  	_ = 	snop  }
0x4: {  	_ = 	snop  }
0x5: {  	_ = 	snop  }
0x6: {  	_ = 	snop  }
0x7: {  	_ = 	snop  }
__scs_overlays_trampoline_lowered:
0x8: {  	[smem:$0x3FA9] =	sst s0  }
0x9: {  	[smem:$0x3FAA] =	sst s1  }
0xa: {  	[smem:$0x3FAB] =	sst s2  }
0xb: {  	[smem:$0x3FAC] =	sst s3  }
0xc: {  	[smem:$0x3FAD] =	sst s4  }
0xd: {  	[smem:$0x3FAE] =	sst s5  }
0xe: {  	[smem:$0x3FAF] =	sst s6  }
0xf: {  	[smem:$0x3FB0] =	sst s7  }
0x10: {  	[smem:$0x3FB1] =	sst s8  }
0x11: {  	[smem:$0x3FB2] =	sst s9;
	s0 =	simm.s32 @!p0 $0x0  }
0x12: {  	s1 =	sld [smem:$0x3F98];
	s0 =	simm.s32 @p0 $0x1  }
0x13: {  	[smem:$0x3FB3] =	sst s0;
	s0 =	simm.s32 @!p1 $0x0  }
0x14: {  	s2 =	sld [smem:$0x3F97];
	s0 =	simm.s32 @p1 $0x1  }
0x15: {  	[smem:$0x3FB4] =	sst s0;
	s0 =	simm.s32 @!p2 $0x0  }
0x16: {  	s3 =	sld [smem:$0x3FDB];
	s0 =	simm.s32 @p2 $0x1  }
0x17: {  	s4 =	simm.s32 $0x1BF5;
	[smem:$0x3FB6] =	sst s0  }
0x18: {  	s0 =	sld [smem:$0x3F99];
	_ =	swait.ge [sflag:s4], $0x0  }
0x19: {  	s7 =	sld [smem:$0x3F9A]  }
0x1a: {  	s8 =	sadd.s32 $0xFFFFE003, lr  }
0x1b: {  	s9 =	sadd.s32 $0xFFFFFEF7, lr;
	s5 =	simm.s32 $0xFFFFFFFF;
	p2 =	slt.u32 s8, $0xFFFFF086  }
0x1c: {  	p1 =	slt.u32 s9, $0xF7A;
	s5 =	simm.s32 @!p2 $0x0  }
0x1d: {  	s5 =	simm.s32 @p1 $0x1;
	p0 =	seq.s32 s7, s2  }
0x1e: {  	s7 =	smul.u32 @!p0 $0xF7A, s2;
	p2 =	seq.s32 @!p0 s5, $0x0  }
0x1f: {  	s9 =	smul.u32 $0xF7A, s1;
	s8 =	simm.s32 @!p0 $0x1BF5;
	p2 =	por !p2, p0  }
0x20: {  	[sflag:s8] =	ssyncset.s32 @!p0 $0xFFFFF086;
	s6 =	sadd.s32 @!p0 s3, s7;
	s7 =	simm.s32 @!p0 $0x108  }
0x21: {  	s3 =	sadd.s32 s3, s9;
	s6 =	sadd.s32 @!p0 $0x88, s6;
	s7 =	simm.s32 @p2 $0x1082  }
0x22: {  	[simem:s7], [sflag:s8] =	dma.local @!p0 [hbm:s6], $0xF7A  }
0x23: {  	s9 =	sor.u32 $0xD0000000, s2;
	s6 =	simm.s32 $0x108;
	_ =	swait.ge @!p0 [sflag:s8], $0x0  }
0x24: {  	s3 =	sadd.s32 $0x88, s3;
	s6 =	simm.s32 @!p1 $0x1082;
	[sflag:s4] =	ssyncset.s32 $0xFFFFF086  }
0x25: {  	[simem:s6], [sflag:s4] =	dma.local [hbm:s3], $0xF7A  }
0x26: {  	[smem:$0x3F9A] =	sst s1;
	(tag) =	ssettag s2;
	_ =	strace s9  }
0x27: {  	s1 =	sld [smem:$0x3FAA]  }
0x28: {  	s2 =	sld [smem:$0x3FAB]  }
0x29: {  	s4 =	sld [smem:$0x3FAD]  }
0x2a: {  	p0 =	seq.s32 s5, $0x0;
	s5 =	sld [smem:$0x3FAE]  }
0x2b: {  	s6 =	sld [smem:$0x3FAF]  }
0x2c: {  	s7 =	sld [smem:$0x3FB0]  }
0x2d: {  	s3 =	simm.s32 $0x108;
	s8 =	sld [smem:$0x3FB1]  }
0x2e: {  	s3 =	simm.s32 @!p0 $0x1082;
	s9 =	sld [smem:$0x3FB2]  }
0x2f: {  	lr =	sadd.s32 s0, s3;
	s0 =	sld [smem:$0x3FA9]  }
0x30: {  	s3 =	sld [smem:$0x3FAC]  }
0x31: {  	[smem:$0x3FB5] =	sst s10  }
0x32: {  	s10 =	sld [smem:$0x3FB3];
	_ =	sdelay $0x3  }
0x33: {  	p0 =	seq.s32 s10, $0x1;
	s10 =	sld [smem:$0x3FB5];
	_ =	sdelay $0x3  }
0x34: {  	[smem:$0x3FB5] =	sst s10  }
0x35: {  	s10 =	sld [smem:$0x3FB4];
	_ =	sdelay $0x3  }
0x36: {  	p1 =	seq.s32 s10, $0x1;
	s10 =	sld [smem:$0x3FB5];
	_ =	sdelay $0x3  }
0x37: {  	[smem:$0x3FB5] =	sst s10  }
0x38: {  	s10 =	sld [smem:$0x3FB6]  }
0x39: {  	_ = 	snop;
	(pc) =	sbr.ind lr, $3  }
0x3a: {  	_ = 	snop  }
0x3b: {  	_ = 	snop  }
0x3c: {  	p2 =	seq.s32 s10, $0x1;
	s10 =	sld [smem:$0x3FB5]  }
0x3d: {  	_ =	shalt  }
0x3e: {  	_ =	shalt  }
0x3f: {  	_ =	shalt  }
0x40: {  	_ =	shalt  }
0x41: {  	_ =	shalt  }
0x42: {  	_ =	shalt  }
0x43: {  	_ =	shalt  }
0x44: {  	_ =	shalt  }
0x45: {  	_ =	shalt  }
0x46: {  	_ =	shalt  }
0x47: {  	_ =	shalt  }
0x48: {  	_ =	shalt  }
0x49: {  	_ =	shalt  }
0x4a: {  	_ =	shalt  }
0x4b: {  	_ =	shalt  }
0x4c: {  	_ =	shalt  }
0x4d: {  	_ =	shalt  }
0x4e: {  	_ =	shalt  }
0x4f: {  	_ =	shalt  }
0x50: {  	_ =	shalt  }
0x51: {  	_ =	shalt  }
0x52: {  	_ =	shalt  }
0x53: {  	_ =	shalt  }
0x54: {  	_ =	shalt  }
0x55: {  	_ =	shalt  }
0x56: {  	_ =	shalt  }
0x57: {  	_ =	shalt  }
0x58: {  	_ =	shalt  }
0x59: {  	_ =	shalt  }
0x5a: {  	_ =	shalt  }
0x5b: {  	_ =	shalt  }
0x5c: {  	_ =	shalt  }
0x5d: {  	_ =	shalt  }
0x5e: {  	_ =	shalt  }
0x5f: {  	_ =	shalt  }
0x60: {  	_ =	shalt  }
0x61: {  	_ =	shalt  }
0x62: {  	_ =	shalt  }
0x63: {  	_ =	shalt  }
0x64: {  	_ =	shalt  }
0x65: {  	_ =	shalt  }
0x66: {  	_ =	shalt  }
0x67: {  	_ =	shalt  }
0x68: {  	_ =	shalt  }
0x69: {  	_ =	shalt  }
0x6a: {  	_ =	shalt  }
0x6b: {  	_ =	shalt  }
0x6c: {  	_ =	shalt  }
0x6d: {  	_ =	shalt  }
0x6e: {  	_ =	shalt  }
0x6f: {  	_ =	shalt  }
0x70: {  	_ =	shalt  }
0x71: {  	_ =	shalt  }
0x72: {  	_ =	shalt  }
0x73: {  	_ =	shalt  }
0x74: {  	_ =	shalt  }
0x75: {  	_ =	shalt  }
0x76: {  	_ =	shalt  }
0x77: {  	_ =	shalt  }
0x78: {  	_ =	shalt  }
0x79: {  	_ =	shalt  }
0x7a: {  	_ =	shalt  }
0x7b: {  	_ =	shalt  }
0x7c: {  	_ =	shalt  }
0x7d: {  	_ =	shalt  }
0x7e: {  	_ =	shalt  }
0x7f: {  	_ =	shalt  }
0x80: {  	_ =	shalt  }
0x81: {  	_ =	shalt  }
0x82: {  	_ =	shalt  }
0x83: {  	_ =	shalt  }
0x84: {  	_ =	shalt  }
0x85: {  	_ =	shalt  }
0x86: {  	_ =	shalt  }
0x87: {  	_ =	shalt  }
.Lfunc_end0:
.L_simem_size_0:
called_computation_lowered:
.L_overlay_start_0:
0x88: {  	s2 =	sld [smem:$0x3FD9]  }
0x89: {  	s3 =	sld [smem:$0x3FFE];
	_ =	sdelay $0x1  }
0x8a: {  	s1 =	srdreg.scid  }
0x8b: {  	s0 =	sand.u32 $0x1, s1  }
0x8c: {  	s17 =	sshll.u32 s0, $0xA;
	s2 =	sadd.s32 s3, s2  }
0x8d: {  	s2 =	sadd.s32 s2, s17  }
0x8e: {  	[smem:$0x3FC1] =	sst s2  }
0x8f: {  	_ = 	snop  }
0x90: {  	s2 =	sld [smem:$0x3FC9];
	(tm) =	ssettm $0x1  }
0x91: {  	s18 =	sld [smem:$0x3FFB];
	_ =	sdelay $0x3  }
0x92: {  	_ =	strace s18  }
0x93: {  	s3 =	sld [smem:$0x3FFC];
	_ =	sdelay $0x3  }
0x94: {  	_ =	strace s3  }
0x95: {  	s3 =	sld [smem:$0x3FFD];
	_ =	sdelay $0x3  }
0x96: {  	_ =	strace s3  }
0x97: {  	_ =	strace $0x8FFFFFFF  }
0x98: {  	s19 =	sld [smem:$0x3FDB];
	_ =	sdelay $0x1  }
0x99: {  	s4 =	simm.s32 $_scs_section_size  }
0x9a: {  	s5 =	simm.s32 $_size__tile_overlayer_lowered;
	s6 =	simm.s32 $_tile_overlayer_lowered  }
0x9b: {  	s22 =	simm.s32 $0x1BFF;
	s21 =	sshll.u32 s6, $0x1;
	s3 =	sadd.s32 s4, s19  }
0x9c: {  	s7 =	simm.s32 $0x0;
	s20 =	sshll.u32 s5, $0x1;
	s5 =	sadd.s32 s21, s3  }
0x9d: {  	[timem:s7], [sflag:s22] =	dma.local [hbm:s5], s20  }
0x9e: {  	_ =	swait.ge [sflag:s22], s20  }
0x9f: {  	s4 =	ssub.s32 $0x0, s20;
	[sflag:s22] =	ssyncset.done $0x0  }
0xa0: {  	[sflag:s22] =	ssyncadd.s32 s4;
	_ =	sdelay $0x1  }
0xa1: {  	s23 =	simm.s32 $0x1B8B  }
0xa2: {  	_ =	swait.ge [sflag:s23], $0x1  }
0xa3: {  	[sflag:s23] =	ssyncset.done $0x0  }
0xa4: {  	s25 =	simm.s32 $0x1B8E;
	s24 =	sld [smem:$0x3FFE];
	[sflag:s23] =	ssyncadd.s32 $0xFFFFFFFF  }
0xa5: {  	s26 =	simm.s32 $execute0_lowered;
	[smem:$0x3FD2] =	sst s25  }
0xa6: {  	s5 =	sshll.u32 s26, $0x1;
	_ =	strace $0x80000046;
	[dreg:$0x1] =	wrdreg $0xFFFFFFFF  }
0xa7: {  	s28 =	simm.s32 $_size_execute0_lowered;
	s3 =	sadd.s32 s3, s5;
	[dreg:$0x0] =	wrdreg $0x0  }
0xa8: {  	s5 =	sshll.u32 s28, $0x1;
	[dreg:$0x2] =	wrdreg s3  }
0xa9: {  	[dreg:$0x3] =	wrdreg s5  }
0xaa: {  	[dreg:$0x4] =	wrdreg $0xC0  }
0xab: {  	_ =	task [dreg:s7], $0x5FFFF  }
0xac: {  	[dreg:$0x1] =	wrdreg $0xFFFFFFFF  }
0xad: {  	[dreg:$0x0] =	wrdreg $0x60  }
0xae: {  	[dreg:$0x2] =	wrdreg s2  }
0xaf: {  	[dreg:$0x3] =	wrdreg s24  }
0xb0: {  	[dreg:$0x4] =	wrdreg $0xB0000  }
0xb1: {  	[dreg:$0x5] =	wrdreg $0x9  }
0xb2: {  	_ =	task.clear_ibuf [dreg:s7], $0x6FFFF;
	_ =	strace $0x90000046  }
0xb3: {  	s29 =	simm.s32 $0x9;
	_ =	strace $0x80000048  }
0xb4: {  	_ =	swait.ge [sflag:s29], $0x1  }
0xb5: {  	[sflag:s29] =	ssyncadd.s32 $0xFFFFFFFF  }
0xb6: {  	_ =	strace $0x90000048  }
0xb7: {  	_ =	sfence  }
0xb8: {  	s30 =	sld [smem:$0x0];
	_ =	sdelay $0x2  }
0xb9: {  	s31 =	sshll.u32 s1, $0xD;
	s1 =	sshrl.u32 s1, $0x2  }
0xba: {  	s3 =	sand.u32 $0x4000, s31;
	s1 =	sadd.s32 s1, s30  }
0xbb: {  	s0 =	sor.u32 s3, s0;
	s1 =	sshll.u32 s1, $0x11  }
0xbc: {  	s0 =	sor.u32 s1, s0  }
0xbd: {  	s0 =	sadd.s32 $0x8F2B, s0  }
0xbe: {  	[sflag:s0] =	ssyncadd.remote.s32 $0x1  }
0xbf: {  	_ =	sfence.sel $0xFFFF  }
0xc0: {  	[dreg:$0x0] =	wrdreg $0xFFFFFFFF;
	(pc) =	sbr.abs _section_cstart, $3  }
0xc1: {  	[dreg:$0x1] =	wrdreg $0xFFFFFFFF  }
0xc2: {  	_ =	task.clear_ibuf [dreg:s7], $0x2FFFF;
	_ =	strace $0x9FFFFFFF  }
0xc3: {  	(tm) =	ssettm $0x7FFFFFFF  }
tec
execute0_lowered:
.L_overlay_start_1:
0x0: {  	(tag) =	ssettag $0x1  }
0x1: {  	s7 =	rddreg [dreg:$0x0]  }
0x2: {  	s10 =	rddreg [dreg:$0x1]  }
0x3: {  	s6 =	rddreg [dreg:$0x2]  }
0x4: {  	s0 =	rddreg [dreg:$0x3];
	s2 =	simm.s32 $0x0;
	s1 =	stileid.u32  }
0x5: {  	s8 =	srdreg.scid;
	s5 =	simm.s32 $0x1;
	[smem:$0x7FF] =	sst s2  }
0x6: {  	s3 =	sadd.s32 $0x15600, s10;
	s4 =	sadd.s32 $0x15000, s10;
	s9 =	smul.u32 $0x50000, s1  }
0x7: {  	s11 =	smul.u32 $0x280, s1;
	s12 =	sand.u32 $0x1, s8;
	_ =	strace $0x80000047  }
0x8: {  	[tilespmem:s2], [sflag:$0x1] =	stream.linear.gather [hbm4b:s3+s2], $0x2800, $0x38;
	[tilespmem:$0x1F000] =	vst v63  }
0x9: {  	s29 =	sshll.u32 s1, $0x6;
	s28 =	smul.u32 $0x28000, s12;
	_ =	swait.ge [sflag:s5], $0x2800  }
0xa: {  	s9 =	sshrl.u32 s9, $0x2;
	s26 =	smin.u32 s11, $0x2490;
	[sflag:s5] =	ssyncset.done $0x0  }
0xb: {  	s9 =	sadd.s32 s9, s6;
	s6 =	simm.s32 $0x2800;
	[sflag:s5] =	ssyncadd.s32 $0xFFFFD800  }
0xc: {  	[tilespmem:s6], [sflag:$0x1] =	stream.linear.gather [hbm4b:s4+s2], $0x2800, $0x38;
	[tilespmem:$0x1F000] =	vst v63  }
0xd: {  	s12 =	ssub.s32 $0x2, s12;
	s8 =	sshll.u32 s26, $0x4;
	_ =	swait.ge [sflag:s5], $0x2800  }
0xe: {  	s30 =	sshrl.u32 s12, $0x1;
	s7 =	sadd.s32 s7, s8;
	[sflag:s5] =	ssyncset.done $0x0  }
0xf: {  	s8 =	sor.u32 $0x1C01, s29;
	s9 =	sshrl.u32 s9, $0x3;
	[sflag:s5] =	ssyncadd.s32 $0xFFFFD800  }
0x10: {  	[spmem:s9], [sflag:s8] =	dma.local [hbm:s7], $0x2800  }
0x11: {  	s11 =	ssub.s32 s12, s30;
	_ =	swait.ge [sflag:s5], $0x2800  }
0x12: {  	s31 =	smul.u32 $0x2800, s1;
	s13 =	smax.u32 s11, $0x1;
	[sflag:s5] =	ssyncset.done $0x0  }
0x13: {  	s10 =	sadd.s32 s28, s10;
	p0 =	sne.s32 s13, $0x1;
	[sflag:s5] =	ssyncadd.s32 $0xFFFFD800  }
.Ltmp0:
0x14: {  	s10 =	sadd.s32 $0x3DC00, s10;
	[bflag:$0x0] =	sbarrier.arrive $0xFFFF;
	(pc) =	sbr.rel @!p0 .LBB2_2-.Ltmp0, $4  }
0x15: {  	s11 =	simm.s32 $0x5000;
	s10 =	sadd.s32 s31, s10;
	[bflag:$0x0] =	sbarrier.arrive $0xFFFF  }
0x16: {  	[hbm4b:s10+s2] =	stream.linear.scatter [tilespmem:s11], [sflag:$0x1], $0x2000, $0x38;
	[tilespmem:$0x1F000] =	vst v63  }
0x17: {  	_ =	swait.ge [sflag:s5], $0x2000  }
0x18: {  	s12 =	sadd.s32 $0xFFFFFFFF, s13;
	[sflag:s5] =	ssyncset.done $0x0  }
.LBB2_1:
0x19: {  	p0 =	sne.s32 s12, $0x1;
	s12 =	sadd.s32 $0xFFFFFFFF, s12;
	[sflag:s5] =	ssyncadd.s32 $0xFFFFE000  }
0x1a: {  	[tilespmem:s2], [sflag:$0x1] =	stream.linear.gather [hbm4b:s3+s2], $0x2800, $0x38;
	[tilespmem:$0x1F000] =	vst v63  }
0x1b: {  	_ =	swait.ge [sflag:s5], $0x2800  }
0x1c: {  	[sflag:s5] =	ssyncset.done $0x0  }
0x1d: {  	[sflag:s5] =	ssyncadd.s32 $0xFFFFD800  }
0x1e: {  	[tilespmem:s6], [sflag:$0x1] =	stream.linear.gather [hbm4b:s4+s2], $0x2800, $0x38;
	[tilespmem:$0x1F000] =	vst v63  }
0x1f: {  	_ =	swait.ge [sflag:s5], $0x2800  }
0x20: {  	[sflag:s5] =	ssyncset.done $0x0  }
0x21: {  	[sflag:s5] =	ssyncadd.s32 $0xFFFFD800  }
0x22: {  	[spmem:s9], [sflag:s8] =	dma.local [hbm:s7], $0x2800  }
0x23: {  	_ =	swait.ge [sflag:s5], $0x2800  }
0x24: {  	[sflag:s5] =	ssyncset.done $0x0  }
0x25: {  	[sflag:s5] =	ssyncadd.s32 $0xFFFFD800  }
.Ltmp1:
0x26: {  	[bflag:$0x0] =	sbarrier.arrive $0xFFFF;
	(pc) =	sbr.rel @p0 .LBB2_1-.Ltmp1, $4  }
0x27: {  	[bflag:$0x0] =	sbarrier.arrive $0xFFFF  }
0x28: {  	[hbm4b:s10+s2] =	stream.linear.scatter [tilespmem:s11], [sflag:$0x1], $0x2000, $0x38;
	[tilespmem:$0x1F000] =	vst v63  }
0x29: {  	_ =	swait.ge [sflag:s5], $0x2000  }
0x2a: {  	[sflag:s5] =	ssyncset.done $0x0  }
.LBB2_2:
0x2b: {  	[sflag:s5] =	ssyncadd.s32 $0xFFFFE000  }
0x2c: {  	_ =	sfence.sel $0x180000  }
0x2d: {  	[bflag:$0x0] =	sbarrier.arrive $0xFFFF  }
0x2e: {  	p0 =	sne.s32 s1, $0x0;
	_ =	strace $0x90000047  }
0x2f: {  	s0 =	sadd.s32 @!p0 $0x100000, s0;
	[bflag:$0x2] =	sbarrier.arrive $0xFFFF  }
0x30: {  	[sflag:s0] =	ssyncadd.tile.s32 @!p0 $0x1;
	_ =	shalt  }
.Lfunc_end2:
_tile_overlayer_lowered:
.L_overlay_start_2:
0x31: {  	(tag) =	ssettag $0x2  }
0x32: {  	s0 =	rddreg [dreg:$0x0];
	s2 =	stileid.u32  }
0x33: {  	s1 =	rddreg [dreg:$0x1];
	p0 =	sne.s32 s2, $0x0  }
0x34: {  	s3 =	rddreg [dreg:$0x2];
	[bflag:$0x3] =	sbarrier.arrive $0xFFFF;
	s2 =	simm.s32 @!p0 $0x1C01  }
0x35: {  	[timem:s3], [sflag:s2] =	dma.local @!p0 [hbm:s0], s1  }
0x36: {  	s0 =	simm.s32 @!p0 $0x1  }
0x37: {  	_ =	swait.ge @!p0 [sflag:s0], s1  }
0x38: {  	s1 =	ssub.s32 @!p0 $0x0, s1;
	[sflag:s0] =	ssyncset.done @!p0 $0x0  }
0x39: {  	[sflag:s0] =	ssyncadd.s32 @!p0 s1  }
0x3a: {  	[bflag:$0x3] =	sbarrier.arrive $0xFFFF  }
0x3b: {  	_ =	shalt  }

</sc_bundles>
